<compile_context>
chip_gen: v7x
topology: tpu7x:2x2x1
jax: 0.10.2.dev20260603
libtpu: 0.0.44.dev20260713+nightly
codegen_flags: <defaults>
</compile_context>

<pallas_src>
import functools

import jax
import jax.numpy as jnp
from jax import lax
from jax.experimental import pallas as pl
from jax.experimental.pallas import tpu as pltpu
from jax.experimental.pallas import tpu_sc as plsc

DIM = 128
CHUNK = 64
NC = 2
NS = 16
NW = NC * NS


def _make_gather(n: int, n_chunks: int, TYPE_ROWS: int):
    cpw = n_chunks // NW
    mesh = plsc.VectorSubcoreMesh(core_axis_name="c", subcore_axis_name="s")

    nbuf = 7
    ahead = 5

    @functools.partial(
        pl.kernel,
        mesh=mesh,
        out_type=jax.ShapeDtypeStruct((n, DIM), jnp.float32),
        scratch_types=[
            pltpu.VMEM((cpw, CHUNK), jnp.int32),
            pltpu.VMEM((nbuf, CHUNK, DIM), jnp.float32),
            pltpu.VMEM_SHARED((TYPE_ROWS, DIM), jnp.float32),
            pltpu.SemaphoreType.DMA((nbuf,)),
            pltpu.SemaphoreType.DMA((nbuf,)),
            pltpu.SemaphoreType.DMA,
        ],
    )
    def gather_kernel(idx_hbm, table_hbm, out_hbm, idx_v, rows_v, table_v,
                      gsem, osem, isem):
        wid = lax.axis_index("s") * NC + lax.axis_index("c")
        cbase = wid * cpw
        idx_copy = pltpu.make_async_copy(idx_hbm.at[wid], idx_v, isem)
        idx_copy.start()

        @pl.when(lax.axis_index("s") == 0)
        def _():
            pltpu.sync_copy(table_hbm, table_v)

        plsc.subcore_barrier()
        idx_copy.wait()

        def ostart(j):
            return lax.min((cbase + j) * CHUNK, n - CHUNK)

        def start_gather(j, b):
            pltpu.async_copy(table_v.at[idx_v.at[j]], rows_v.at[b], gsem.at[b])

        def wait_gather(b):
            pltpu.make_async_copy(
                table_v.at[idx_v.at[0]], rows_v.at[b], gsem.at[b]
            ).wait()

        def start_out(j, b):
            pltpu.async_copy(
                rows_v.at[b], out_hbm.at[pl.ds(ostart(j), CHUNK)], osem.at[b]
            )

        def wait_out(b):
            pltpu.make_async_copy(
                rows_v.at[b], out_hbm.at[pl.ds(0, CHUNK)], osem.at[b]
            ).wait()

        for p in range(min(ahead, cpw)):
            start_gather(p, p)

        def step(j, carry):
            b = lax.rem(j, nbuf)
            wait_gather(b)
            start_out(j, b)

            @pl.when(j + ahead < cpw)
            def _():
                b2 = lax.rem(j + ahead, nbuf)

                @pl.when(j - (nbuf - ahead) >= 0)
                def _():
                    wait_out(b2)

                start_gather(j + ahead, b2)

            return carry

        lax.fori_loop(0, cpw, step, 0)
        for t in range(min(nbuf, cpw)):
            wait_out((cpw - 1 - t) % nbuf)

    return gather_kernel


def kernel(atom_types, table):
    n = atom_types.shape[0]
    n_full = n // CHUNK
    n_chunks = -(-n // CHUNK)
    n_chunks_pad = -(-n_chunks // NW) * NW
    idx_full = atom_types[: n_full * CHUNK].reshape(n_full, CHUNK)
    n_tail = n_chunks_pad - n_full
    idx_tail = jnp.broadcast_to(atom_types[n - CHUNK:], (n_tail, CHUNK))
    idx = jnp.concatenate([idx_full, idx_tail]).reshape(
        NW, n_chunks_pad // NW, CHUNK
    )
    return _make_gather(n, n_chunks_pad, table.shape[0])(idx, table)

# --- scband reference (transcript-rebuilt; emitter-appended) ---
"""Pipeline reference for scband-atom-embedding-45105746542693 (READ-ONLY COPY).

The authoritative reference and input builder live on the scoring server;
editing this copy changes nothing except your own understanding.
"""

import jax, jax.numpy as jnp
import numpy as np

DIM = 128
TYPE_NUM = 100
N_ATOMS = 100000

def setup_inputs(seed: int = 0) -> dict:
    key = jax.random.key(seed)
    k1, k2 = jax.random.split(key)
    atom_types = jax.random.randint(k1, (N_ATOMS,), 0, TYPE_NUM, dtype=jnp.int32)
    table = jax.random.normal(k2, (TYPE_NUM, DIM), dtype=jnp.float32)
    # padding_idx=0: torch nn.Embedding initializes the padding row to zeros
    table = table.at[0].set(0.0)
    return {"atom_types": atom_types, "table": table}

def reference(atom_types, table):
    # AtomEmbedding.forward: embedding lookup
    return jnp.take(table, atom_types, axis=0)

if __name__ == "__main__":
    import jax
    _d = setup_inputs()
    print(jax.jit(kernel)(*tuple(_d.values())))

</pallas_src>

<mosaic_0001>
#map = affine_map<(d0, d1) -> (0, 0, 0)>
#map1 = affine_map<(d0, d1) -> (0, 0)>
module attributes {stable_mosaic.version = 14 : i64} {
  func.func @gather_kernel(%arg0: i32, %arg1: i32, %arg2: memref<32x49x64xi32, #tpu.memory_space<hbm>>, %arg3: memref<100x128xf32, #tpu.memory_space<hbm>>, %arg4: memref<100000x128xf32, #tpu.memory_space<hbm>>, %arg5: memref<49x64xi32, #tpu.memory_space<vmem>>, %arg6: memref<7x64x128xf32, #tpu.memory_space<vmem>>, %arg7: memref<100x128xf32, #tpu.memory_space<vmem_shared>>, %arg8: memref<7x!tpu.dma_semaphore, #tpu.memory_space<semaphore_mem>>, %arg9: memref<7x!tpu.dma_semaphore, #tpu.memory_space<semaphore_mem>>, %arg10: memref<!tpu.dma_semaphore, #tpu.memory_space<semaphore_mem>>) attributes {dimension_semantics = [#tpu.dimension_semantics<core_parallel>, #tpu.dimension_semantics<subcore_parallel>], iteration_bounds = array<i64: 2, 16>, scalar_prefetch = 0 : i64, scratch_operands = 6 : i64, tpu.core_type = #tpu.core_type<sc_vector_subcore>, window_params = [{transform_indices = #map}, {transform_indices = #map1}, {transform_indices = #map1}]} {
    %mul3A = arith.constant 2 : i32
    %mul3A_0 = arith.muli %arg1, %mul3A : i32
    %add3A = arith.addi %mul3A_0, %arg0 : i32
    %mul3A_1 = arith.constant 49 : i32
    %mul3A_2 = arith.muli %add3A, %mul3A_1 : i32
    %dma_start3A = arith.constant 0 : i32
    %dma_start3A_3 = arith.constant 0 : i32
    %dma_start3A_4 = tpu.memref_slice %arg2[%add3A, %dma_start3A, %dma_start3A_3] : memref<32x49x64xi32, #tpu.memory_space<hbm>> -> memref<1x49x64xi32, #tpu.memory_space<hbm>>
    %dma_start3A_5 = tpu.memref_squeeze %dma_start3A_4 : memref<1x49x64xi32, #tpu.memory_space<hbm>> -> memref<49x64xi32, #tpu.memory_space<hbm>>
    %dma_start3A_6 = arith.constant 0 : i32
    %dma_start3A_7 = arith.constant 0 : i32
    %dma_start3A_8 = tpu.memref_slice %arg2[%add3A, %dma_start3A_6, %dma_start3A_7] : memref<32x49x64xi32, #tpu.memory_space<hbm>> -> memref<1x49x64xi32, #tpu.memory_space<hbm>>
    %dma_start3A_9 = tpu.memref_squeeze %dma_start3A_8 : memref<1x49x64xi32, #tpu.memory_space<hbm>> -> memref<49x64xi32, #tpu.memory_space<hbm>>
    tpu.enqueue_dma source(%dma_start3A_9 : memref<49x64xi32, #tpu.memory_space<hbm>>) target(%arg5 : memref<49x64xi32, #tpu.memory_space<vmem>>) target_semaphore(%arg10 : memref<!tpu.dma_semaphore, #tpu.memory_space<semaphore_mem>>)
    %eq3A = arith.constant 0 : i32
    %eq3A_10 = arith.cmpi eq, %arg1, %eq3A : i32
    %convert_element_type3A = arith.extui %eq3A_10 : i1 to i32
    %cond3A = arith.constant 0 : i32
    %cond3A_11 = arith.cmpi ne, %convert_element_type3A, %cond3A : i32
    scf.if %cond3A_11 {
      "tpu.region"() ({
        %run_scoped3A = tpu.sem_alloc : memref<!tpu.dma_semaphore, #tpu.memory_space<semaphore_mem>>
        tpu.enqueue_dma source(%arg3 : memref<100x128xf32, #tpu.memory_space<hbm>>) target(%arg7 : memref<100x128xf32, #tpu.memory_space<vmem_shared>>) target_semaphore(%run_scoped3A : memref<!tpu.dma_semaphore, #tpu.memory_space<semaphore_mem>>)
        tpu.wait_dma2 semaphore(%run_scoped3A : memref<!tpu.dma_semaphore, #tpu.memory_space<semaphore_mem>>) src(%arg3 : memref<100x128xf32, #tpu.memory_space<hbm>>) dst(%arg7 : memref<100x128xf32, #tpu.memory_space<vmem_shared>>)
        tpu.yield
      }) : () -> ()
    } else {
    }
    %barrier3A = arith.constant 0 : index
    tpu.barrier barrier_id(%barrier3A)
    %dma_wait3A = arith.constant 0 : i32
    %dma_wait3A_12 = arith.constant 0 : i32
    %dma_wait3A_13 = tpu.memref_slice %arg2[%add3A, %dma_wait3A, %dma_wait3A_12] : memref<32x49x64xi32, #tpu.memory_space<hbm>> -> memref<1x49x64xi32, #tpu.memory_space<hbm>>
    %dma_wait3A_14 = tpu.memref_squeeze %dma_wait3A_13 : memref<1x49x64xi32, #tpu.memory_space<hbm>> -> memref<49x64xi32, #tpu.memory_space<hbm>>
    %dma_wait3A_15 = arith.constant 0 : i32
    %dma_wait3A_16 = arith.constant 0 : i32
    %dma_wait3A_17 = tpu.memref_slice %arg2[%add3A, %dma_wait3A_15, %dma_wait3A_16] : memref<32x49x64xi32, #tpu.memory_space<hbm>> -> memref<1x49x64xi32, #tpu.memory_space<hbm>>
    %dma_wait3A_18 = tpu.memref_squeeze %dma_wait3A_17 : memref<1x49x64xi32, #tpu.memory_space<hbm>> -> memref<49x64xi32, #tpu.memory_space<hbm>>
    tpu.wait_dma2 semaphore(%arg10 : memref<!tpu.dma_semaphore, #tpu.memory_space<semaphore_mem>>) src(%dma_wait3A_18 : memref<49x64xi32, #tpu.memory_space<hbm>>) dst(%arg5 : memref<49x64xi32, #tpu.memory_space<vmem>>)
    %dma_start3A_19 = arith.constant 0 : i32
    %dma_start3A_20 = arith.constant 0 : i32
    %dma_start3A_21 = arith.constant 0 : i32
    %dma_start3A_22 = arith.constant 0 : i32
    %dma_start3A_23 = arith.constant 0 : i32
    %dma_start3A_24 = tpu.memref_slice %arg6[%dma_start3A_20, %dma_start3A_22, %dma_start3A_23] : memref<7x64x128xf32, #tpu.memory_space<vmem>> -> memref<1x64x128xf32, #tpu.memory_space<vmem>>
    %dma_start3A_25 = tpu.memref_squeeze %dma_start3A_24 : memref<1x64x128xf32, #tpu.memory_space<vmem>> -> memref<64x128xf32, #tpu.memory_space<vmem>>
    %dma_start3A_26 = arith.constant 0 : i32
    %dma_start3A_27 = tpu.memref_slice %arg5[%dma_start3A_19, %dma_start3A_26] : memref<49x64xi32, #tpu.memory_space<vmem>> -> memref<1x64xi32, #tpu.memory_space<vmem>>
    %dma_start3A_28 = tpu.memref_squeeze %dma_start3A_27 : memref<1x64xi32, #tpu.memory_space<vmem>> -> memref<64xi32, #tpu.memory_space<vmem>>
    %dma_start3A_29 = arith.constant 0 : i32
    %dma_start3A_30 = arith.constant 0 : i32
    %dma_start3A_31 = tpu.memref_slice %arg7[%dma_start3A_29, %dma_start3A_30] : memref<100x128xf32, #tpu.memory_space<vmem_shared>> -> memref<100x128xf32, #tpu.memory_space<vmem_shared>>
    %dma_start3A_32 = tpu.memref_slice %arg8[%dma_start3A_21] : memref<7x!tpu.dma_semaphore, #tpu.memory_space<semaphore_mem>> -> memref<1x!tpu.dma_semaphore, #tpu.memory_space<semaphore_mem>>
    %dma_start3A_33 = tpu.memref_squeeze %dma_start3A_32 : memref<1x!tpu.dma_semaphore, #tpu.memory_space<semaphore_mem>> -> memref<!tpu.dma_semaphore, #tpu.memory_space<semaphore_mem>>
    tpu.enqueue_indirect_dma source(%dma_start3A_31 : memref<100x128xf32, #tpu.memory_space<vmem_shared>>) target(%dma_start3A_25 : memref<64x128xf32, #tpu.memory_space<vmem>>) offsets(%dma_start3A_28 : memref<64xi32, #tpu.memory_space<vmem>>) semaphore(%dma_start3A_33 : memref<!tpu.dma_semaphore, #tpu.memory_space<semaphore_mem>>)
    %dma_start3A_34 = arith.constant 1 : i32
    %dma_start3A_35 = arith.constant 1 : i32
    %dma_start3A_36 = arith.constant 1 : i32
    %dma_start3A_37 = arith.constant 0 : i32
    %dma_start3A_38 = arith.constant 0 : i32
    %dma_start3A_39 = tpu.memref_slice %arg6[%dma_start3A_35, %dma_start3A_37, %dma_start3A_38] : memref<7x64x128xf32, #tpu.memory_space<vmem>> -> memref<1x64x128xf32, #tpu.memory_space<vmem>>
    %dma_start3A_40 = tpu.memref_squeeze %dma_start3A_39 : memref<1x64x128xf32, #tpu.memory_space<vmem>> -> memref<64x128xf32, #tpu.memory_space<vmem>>
    %dma_start3A_41 = arith.constant 0 : i32
    %dma_start3A_42 = tpu.memref_slice %arg5[%dma_start3A_34, %dma_start3A_41] : memref<49x64xi32, #tpu.memory_space<vmem>> -> memref<1x64xi32, #tpu.memory_space<vmem>>
    %dma_start3A_43 = tpu.memref_squeeze %dma_start3A_42 : memref<1x64xi32, #tpu.memory_space<vmem>> -> memref<64xi32, #tpu.memory_space<vmem>>
    %dma_start3A_44 = arith.constant 0 : i32
    %dma_start3A_45 = arith.constant 0 : i32
    %dma_start3A_46 = tpu.memref_slice %arg7[%dma_start3A_44, %dma_start3A_45] : memref<100x128xf32, #tpu.memory_space<vmem_shared>> -> memref<100x128xf32, #tpu.memory_space<vmem_shared>>
    %dma_start3A_47 = tpu.memref_slice %arg8[%dma_start3A_36] : memref<7x!tpu.dma_semaphore, #tpu.memory_space<semaphore_mem>> -> memref<1x!tpu.dma_semaphore, #tpu.memory_space<semaphore_mem>>
    %dma_start3A_48 = tpu.memref_squeeze %dma_start3A_47 : memref<1x!tpu.dma_semaphore, #tpu.memory_space<semaphore_mem>> -> memref<!tpu.dma_semaphore, #tpu.memory_space<semaphore_mem>>
    tpu.enqueue_indirect_dma source(%dma_start3A_46 : memref<100x128xf32, #tpu.memory_space<vmem_shared>>) target(%dma_start3A_40 : memref<64x128xf32, #tpu.memory_space<vmem>>) offsets(%dma_start3A_43 : memref<64xi32, #tpu.memory_space<vmem>>) semaphore(%dma_start3A_48 : memref<!tpu.dma_semaphore, #tpu.memory_space<semaphore_mem>>)
    %dma_start3A_49 = arith.constant 2 : i32
    %dma_start3A_50 = arith.constant 2 : i32
    %dma_start3A_51 = arith.constant 2 : i32
    %dma_start3A_52 = arith.constant 0 : i32
    %dma_start3A_53 = arith.constant 0 : i32
    %dma_start3A_54 = tpu.memref_slice %arg6[%dma_start3A_50, %dma_start3A_52, %dma_start3A_53] : memref<7x64x128xf32, #tpu.memory_space<vmem>> -> memref<1x64x128xf32, #tpu.memory_space<vmem>>
    %dma_start3A_55 = tpu.memref_squeeze %dma_start3A_54 : memref<1x64x128xf32, #tpu.memory_space<vmem>> -> memref<64x128xf32, #tpu.memory_space<vmem>>
    %dma_start3A_56 = arith.constant 0 : i32
    %dma_start3A_57 = tpu.memref_slice %arg5[%dma_start3A_49, %dma_start3A_56] : memref<49x64xi32, #tpu.memory_space<vmem>> -> memref<1x64xi32, #tpu.memory_space<vmem>>
    %dma_start3A_58 = tpu.memref_squeeze %dma_start3A_57 : memref<1x64xi32, #tpu.memory_space<vmem>> -> memref<64xi32, #tpu.memory_space<vmem>>
    %dma_start3A_59 = arith.constant 0 : i32
    %dma_start3A_60 = arith.constant 0 : i32
    %dma_start3A_61 = tpu.memref_slice %arg7[%dma_start3A_59, %dma_start3A_60] : memref<100x128xf32, #tpu.memory_space<vmem_shared>> -> memref<100x128xf32, #tpu.memory_space<vmem_shared>>
    %dma_start3A_62 = tpu.memref_slice %arg8[%dma_start3A_51] : memref<7x!tpu.dma_semaphore, #tpu.memory_space<semaphore_mem>> -> memref<1x!tpu.dma_semaphore, #tpu.memory_space<semaphore_mem>>
    %dma_start3A_63 = tpu.memref_squeeze %dma_start3A_62 : memref<1x!tpu.dma_semaphore, #tpu.memory_space<semaphore_mem>> -> memref<!tpu.dma_semaphore, #tpu.memory_space<semaphore_mem>>
    tpu.enqueue_indirect_dma source(%dma_start3A_61 : memref<100x128xf32, #tpu.memory_space<vmem_shared>>) target(%dma_start3A_55 : memref<64x128xf32, #tpu.memory_space<vmem>>) offsets(%dma_start3A_58 : memref<64xi32, #tpu.memory_space<vmem>>) semaphore(%dma_start3A_63 : memref<!tpu.dma_semaphore, #tpu.memory_space<semaphore_mem>>)
    %dma_start3A_64 = arith.constant 3 : i32
    %dma_start3A_65 = arith.constant 3 : i32
    %dma_start3A_66 = arith.constant 3 : i32
    %dma_start3A_67 = arith.constant 0 : i32
    %dma_start3A_68 = arith.constant 0 : i32
    %dma_start3A_69 = tpu.memref_slice %arg6[%dma_start3A_65, %dma_start3A_67, %dma_start3A_68] : memref<7x64x128xf32, #tpu.memory_space<vmem>> -> memref<1x64x128xf32, #tpu.memory_space<vmem>>
    %dma_start3A_70 = tpu.memref_squeeze %dma_start3A_69 : memref<1x64x128xf32, #tpu.memory_space<vmem>> -> memref<64x128xf32, #tpu.memory_space<vmem>>
    %dma_start3A_71 = arith.constant 0 : i32
    %dma_start3A_72 = tpu.memref_slice %arg5[%dma_start3A_64, %dma_start3A_71] : memref<49x64xi32, #tpu.memory_space<vmem>> -> memref<1x64xi32, #tpu.memory_space<vmem>>
    %dma_start3A_73 = tpu.memref_squeeze %dma_start3A_72 : memref<1x64xi32, #tpu.memory_space<vmem>> -> memref<64xi32, #tpu.memory_space<vmem>>
    %dma_start3A_74 = arith.constant 0 : i32
    %dma_start3A_75 = arith.constant 0 : i32
    %dma_start3A_76 = tpu.memref_slice %arg7[%dma_start3A_74, %dma_start3A_75] : memref<100x128xf32, #tpu.memory_space<vmem_shared>> -> memref<100x128xf32, #tpu.memory_space<vmem_shared>>
    %dma_start3A_77 = tpu.memref_slice %arg8[%dma_start3A_66] : memref<7x!tpu.dma_semaphore, #tpu.memory_space<semaphore_mem>> -> memref<1x!tpu.dma_semaphore, #tpu.memory_space<semaphore_mem>>
    %dma_start3A_78 = tpu.memref_squeeze %dma_start3A_77 : memref<1x!tpu.dma_semaphore, #tpu.memory_space<semaphore_mem>> -> memref<!tpu.dma_semaphore, #tpu.memory_space<semaphore_mem>>
    tpu.enqueue_indirect_dma source(%dma_start3A_76 : memref<100x128xf32, #tpu.memory_space<vmem_shared>>) target(%dma_start3A_70 : memref<64x128xf32, #tpu.memory_space<vmem>>) offsets(%dma_start3A_73 : memref<64xi32, #tpu.memory_space<vmem>>) semaphore(%dma_start3A_78 : memref<!tpu.dma_semaphore, #tpu.memory_space<semaphore_mem>>)
    %dma_start3A_79 = arith.constant 4 : i32
    %dma_start3A_80 = arith.constant 4 : i32
    %dma_start3A_81 = arith.constant 4 : i32
    %dma_start3A_82 = arith.constant 0 : i32
    %dma_start3A_83 = arith.constant 0 : i32
    %dma_start3A_84 = tpu.memref_slice %arg6[%dma_start3A_80, %dma_start3A_82, %dma_start3A_83] : memref<7x64x128xf32, #tpu.memory_space<vmem>> -> memref<1x64x128xf32, #tpu.memory_space<vmem>>
    %dma_start3A_85 = tpu.memref_squeeze %dma_start3A_84 : memref<1x64x128xf32, #tpu.memory_space<vmem>> -> memref<64x128xf32, #tpu.memory_space<vmem>>
    %dma_start3A_86 = arith.constant 0 : i32
    %dma_start3A_87 = tpu.memref_slice %arg5[%dma_start3A_79, %dma_start3A_86] : memref<49x64xi32, #tpu.memory_space<vmem>> -> memref<1x64xi32, #tpu.memory_space<vmem>>
    %dma_start3A_88 = tpu.memref_squeeze %dma_start3A_87 : memref<1x64xi32, #tpu.memory_space<vmem>> -> memref<64xi32, #tpu.memory_space<vmem>>
    %dma_start3A_89 = arith.constant 0 : i32
    %dma_start3A_90 = arith.constant 0 : i32
    %dma_start3A_91 = tpu.memref_slice %arg7[%dma_start3A_89, %dma_start3A_90] : memref<100x128xf32, #tpu.memory_space<vmem_shared>> -> memref<100x128xf32, #tpu.memory_space<vmem_shared>>
    %dma_start3A_92 = tpu.memref_slice %arg8[%dma_start3A_81] : memref<7x!tpu.dma_semaphore, #tpu.memory_space<semaphore_mem>> -> memref<1x!tpu.dma_semaphore, #tpu.memory_space<semaphore_mem>>
    %dma_start3A_93 = tpu.memref_squeeze %dma_start3A_92 : memref<1x!tpu.dma_semaphore, #tpu.memory_space<semaphore_mem>> -> memref<!tpu.dma_semaphore, #tpu.memory_space<semaphore_mem>>
    tpu.enqueue_indirect_dma source(%dma_start3A_91 : memref<100x128xf32, #tpu.memory_space<vmem_shared>>) target(%dma_start3A_85 : memref<64x128xf32, #tpu.memory_space<vmem>>) offsets(%dma_start3A_88 : memref<64xi32, #tpu.memory_space<vmem>>) semaphore(%dma_start3A_93 : memref<!tpu.dma_semaphore, #tpu.memory_space<semaphore_mem>>)
    %scan3A = arith.constant 0 : i32
    %scan3A_94 = arith.constant 0 : i32
    %scan3A_95 = arith.constant 49 : i32
    %scan3A_96 = arith.addi %scan3A_94, %scan3A_95 : i32
    %scan3A_97 = arith.constant 1 : i32
    scf.for %scan3A_225 = %scan3A_94 to %scan3A_96 step %scan3A_97  : i32 {
      %rem3A = arith.constant 7 : i32
      %rem3A_226 = arith.remsi %scan3A_225, %rem3A : i32
      %dma_wait3A_227 = arith.constant 0 : i32
      %dma_wait3A_228 = arith.constant 0 : i32
      %dma_wait3A_229 = arith.constant 0 : i32
      %dma_wait3A_230 = tpu.memref_slice %arg6[%rem3A_226, %dma_wait3A_228, %dma_wait3A_229] : memref<7x64x128xf32, #tpu.memory_space<vmem>> -> memref<1x64x128xf32, #tpu.memory_space<vmem>>
      %dma_wait3A_231 = tpu.memref_squeeze %dma_wait3A_230 : memref<1x64x128xf32, #tpu.memory_space<vmem>> -> memref<64x128xf32, #tpu.memory_space<vmem>>
      %dma_wait3A_232 = arith.constant 0 : i32
      %dma_wait3A_233 = tpu.memref_slice %arg5[%dma_wait3A_227, %dma_wait3A_232] : memref<49x64xi32, #tpu.memory_space<vmem>> -> memref<1x64xi32, #tpu.memory_space<vmem>>
      %dma_wait3A_234 = tpu.memref_squeeze %dma_wait3A_233 : memref<1x64xi32, #tpu.memory_space<vmem>> -> memref<64xi32, #tpu.memory_space<vmem>>
      %dma_wait3A_235 = arith.constant 0 : i32
      %dma_wait3A_236 = arith.constant 0 : i32
      %dma_wait3A_237 = tpu.memref_slice %arg7[%dma_wait3A_235, %dma_wait3A_236] : memref<100x128xf32, #tpu.memory_space<vmem_shared>> -> memref<100x128xf32, #tpu.memory_space<vmem_shared>>
      %dma_wait3A_238 = tpu.memref_slice %arg8[%rem3A_226] : memref<7x!tpu.dma_semaphore, #tpu.memory_space<semaphore_mem>> -> memref<1x!tpu.dma_semaphore, #tpu.memory_space<semaphore_mem>>
      %dma_wait3A_239 = tpu.memref_squeeze %dma_wait3A_238 : memref<1x!tpu.dma_semaphore, #tpu.memory_space<semaphore_mem>> -> memref<!tpu.dma_semaphore, #tpu.memory_space<semaphore_mem>>
      tpu.wait_indirect_dma semaphore(%dma_wait3A_239 : memref<!tpu.dma_semaphore, #tpu.memory_space<semaphore_mem>>) src(%dma_wait3A_237 : memref<100x128xf32, #tpu.memory_space<vmem_shared>>) dst(%dma_wait3A_231 : memref<64x128xf32, #tpu.memory_space<vmem>>)
      %add3A_240 = arith.addi %mul3A_2, %scan3A_225 : i32
      %mul3A_241 = arith.constant 64 : i32
      %mul3A_242 = arith.muli %add3A_240, %mul3A_241 : i32
      %min3A = arith.constant 99936 : i32
      %min3A_243 = arith.minsi %mul3A_242, %min3A : i32
      %dma_start3A_244 = arith.constant 0 : i32
      %dma_start3A_245 = arith.constant 0 : i32
      %dma_start3A_246 = tpu.memref_slice %arg6[%rem3A_226, %dma_start3A_244, %dma_start3A_245] : memref<7x64x128xf32, #tpu.memory_space<vmem>> -> memref<1x64x128xf32, #tpu.memory_space<vmem>>
      %dma_start3A_247 = tpu.memref_squeeze %dma_start3A_246 : memref<1x64x128xf32, #tpu.memory_space<vmem>> -> memref<64x128xf32, #tpu.memory_space<vmem>>
      %dma_start3A_248 = arith.constant 0 : i32
      %dma_start3A_249 = tpu.memref_slice %arg4[%min3A_243, %dma_start3A_248] : memref<100000x128xf32, #tpu.memory_space<hbm>> -> memref<64x128xf32, #tpu.memory_space<hbm>>
      %dma_start3A_250 = tpu.memref_slice %arg9[%rem3A_226] : memref<7x!tpu.dma_semaphore, #tpu.memory_space<semaphore_mem>> -> memref<1x!tpu.dma_semaphore, #tpu.memory_space<semaphore_mem>>
      %dma_start3A_251 = tpu.memref_squeeze %dma_start3A_250 : memref<1x!tpu.dma_semaphore, #tpu.memory_space<semaphore_mem>> -> memref<!tpu.dma_semaphore, #tpu.memory_space<semaphore_mem>>
      %dma_start3A_252 = arith.constant 0 : i32
      %dma_start3A_253 = tpu.memref_slice %arg4[%min3A_243, %dma_start3A_252] : memref<100000x128xf32, #tpu.memory_space<hbm>> -> memref<64x128xf32, #tpu.memory_space<hbm>>
      %dma_start3A_254 = arith.constant 0 : i32
      %dma_start3A_255 = arith.constant 0 : i32
      %dma_start3A_256 = tpu.memref_slice %arg6[%rem3A_226, %dma_start3A_254, %dma_start3A_255] : memref<7x64x128xf32, #tpu.memory_space<vmem>> -> memref<1x64x128xf32, #tpu.memory_space<vmem>>
      %dma_start3A_257 = tpu.memref_squeeze %dma_start3A_256 : memref<1x64x128xf32, #tpu.memory_space<vmem>> -> memref<64x128xf32, #tpu.memory_space<vmem>>
      tpu.enqueue_dma source(%dma_start3A_257 : memref<64x128xf32, #tpu.memory_space<vmem>>) target(%dma_start3A_253 : memref<64x128xf32, #tpu.memory_space<hbm>>) target_semaphore(%dma_start3A_251 : memref<!tpu.dma_semaphore, #tpu.memory_space<semaphore_mem>>)
      %add3A_258 = arith.constant 5 : i32
      %add3A_259 = arith.addi %scan3A_225, %add3A_258 : i32
      %lt3A = arith.constant 49 : i32
      %lt3A_260 = arith.cmpi slt, %add3A_259, %lt3A : i32
      %convert_element_type3A_261 = arith.extui %lt3A_260 : i1 to i32
      %cond3A_262 = arith.constant 0 : i32
      %cond3A_263 = arith.cmpi ne, %convert_element_type3A_261, %cond3A_262 : i32
      scf.if %cond3A_263 {
        %add3A_264 = arith.constant 5 : i32
        %add3A_265 = arith.addi %scan3A_225, %add3A_264 : i32
        %rem3A_266 = arith.constant 7 : i32
        %rem3A_267 = arith.remsi %add3A_265, %rem3A_266 : i32
        %sub3A = arith.constant 2 : i32
        %sub3A_268 = arith.subi %scan3A_225, %sub3A : i32
        %ge3A = arith.constant 0 : i32
        %ge3A_269 = arith.cmpi sge, %sub3A_268, %ge3A : i32
        %convert_element_type3A_270 = arith.extui %ge3A_269 : i1 to i32
        %cond3A_271 = arith.constant 0 : i32
        %cond3A_272 = arith.cmpi ne, %convert_element_type3A_270, %cond3A_271 : i32
        scf.if %cond3A_272 {
          %dma_wait3A_287 = arith.constant 0 : i32
          %dma_wait3A_288 = arith.constant 0 : i32
          %dma_wait3A_289 = tpu.memref_slice %arg6[%rem3A_267, %dma_wait3A_287, %dma_wait3A_288] : memref<7x64x128xf32, #tpu.memory_space<vmem>> -> memref<1x64x128xf32, #tpu.memory_space<vmem>>
          %dma_wait3A_290 = tpu.memref_squeeze %dma_wait3A_289 : memref<1x64x128xf32, #tpu.memory_space<vmem>> -> memref<64x128xf32, #tpu.memory_space<vmem>>
          %dma_wait3A_291 = arith.constant 0 : i32
          %dma_wait3A_292 = arith.constant 0 : i32
          %dma_wait3A_293 = tpu.memref_slice %arg4[%dma_wait3A_291, %dma_wait3A_292] : memref<100000x128xf32, #tpu.memory_space<hbm>> -> memref<64x128xf32, #tpu.memory_space<hbm>>
          %dma_wait3A_294 = tpu.memref_slice %arg9[%rem3A_267] : memref<7x!tpu.dma_semaphore, #tpu.memory_space<semaphore_mem>> -> memref<1x!tpu.dma_semaphore, #tpu.memory_space<semaphore_mem>>
          %dma_wait3A_295 = tpu.memref_squeeze %dma_wait3A_294 : memref<1x!tpu.dma_semaphore, #tpu.memory_space<semaphore_mem>> -> memref<!tpu.dma_semaphore, #tpu.memory_space<semaphore_mem>>
          %dma_wait3A_296 = arith.constant 0 : i32
          %dma_wait3A_297 = arith.constant 0 : i32
          %dma_wait3A_298 = tpu.memref_slice %arg4[%dma_wait3A_296, %dma_wait3A_297] : memref<100000x128xf32, #tpu.memory_space<hbm>> -> memref<64x128xf32, #tpu.memory_space<hbm>>
          %dma_wait3A_299 = arith.constant 0 : i32
          %dma_wait3A_300 = arith.constant 0 : i32
          %dma_wait3A_301 = tpu.memref_slice %arg6[%rem3A_267, %dma_wait3A_299, %dma_wait3A_300] : memref<7x64x128xf32, #tpu.memory_space<vmem>> -> memref<1x64x128xf32, #tpu.memory_space<vmem>>
          %dma_wait3A_302 = tpu.memref_squeeze %dma_wait3A_301 : memref<1x64x128xf32, #tpu.memory_space<vmem>> -> memref<64x128xf32, #tpu.memory_space<vmem>>
          tpu.wait_dma2 semaphore(%dma_wait3A_295 : memref<!tpu.dma_semaphore, #tpu.memory_space<semaphore_mem>>) src(%dma_wait3A_302 : memref<64x128xf32, #tpu.memory_space<vmem>>) dst(%dma_wait3A_298 : memref<64x128xf32, #tpu.memory_space<hbm>>)
        } else {
        }
        %add3A_273 = arith.constant 5 : i32
        %add3A_274 = arith.addi %scan3A_225, %add3A_273 : i32
        %dma_start3A_275 = arith.constant 0 : i32
        %dma_start3A_276 = arith.constant 0 : i32
        %dma_start3A_277 = tpu.memref_slice %arg6[%rem3A_267, %dma_start3A_275, %dma_start3A_276] : memref<7x64x128xf32, #tpu.memory_space<vmem>> -> memref<1x64x128xf32, #tpu.memory_space<vmem>>
        %dma_start3A_278 = tpu.memref_squeeze %dma_start3A_277 : memref<1x64x128xf32, #tpu.memory_space<vmem>> -> memref<64x128xf32, #tpu.memory_space<vmem>>
        %dma_start3A_279 = arith.constant 0 : i32
        %dma_start3A_280 = tpu.memref_slice %arg5[%add3A_274, %dma_start3A_279] : memref<49x64xi32, #tpu.memory_space<vmem>> -> memref<1x64xi32, #tpu.memory_space<vmem>>
        %dma_start3A_281 = tpu.memref_squeeze %dma_start3A_280 : memref<1x64xi32, #tpu.memory_space<vmem>> -> memref<64xi32, #tpu.memory_space<vmem>>
        %dma_start3A_282 = arith.constant 0 : i32
        %dma_start3A_283 = arith.constant 0 : i32
        %dma_start3A_284 = tpu.memref_slice %arg7[%dma_start3A_282, %dma_start3A_283] : memref<100x128xf32, #tpu.memory_space<vmem_shared>> -> memref<100x128xf32, #tpu.memory_space<vmem_shared>>
        %dma_start3A_285 = tpu.memref_slice %arg8[%rem3A_267] : memref<7x!tpu.dma_semaphore, #tpu.memory_space<semaphore_mem>> -> memref<1x!tpu.dma_semaphore, #tpu.memory_space<semaphore_mem>>
        %dma_start3A_286 = tpu.memref_squeeze %dma_start3A_285 : memref<1x!tpu.dma_semaphore, #tpu.memory_space<semaphore_mem>> -> memref<!tpu.dma_semaphore, #tpu.memory_space<semaphore_mem>>
        tpu.enqueue_indirect_dma source(%dma_start3A_284 : memref<100x128xf32, #tpu.memory_space<vmem_shared>>) target(%dma_start3A_278 : memref<64x128xf32, #tpu.memory_space<vmem>>) offsets(%dma_start3A_281 : memref<64xi32, #tpu.memory_space<vmem>>) semaphore(%dma_start3A_286 : memref<!tpu.dma_semaphore, #tpu.memory_space<semaphore_mem>>)
      } else {
      }
    }
    %scan3A_98 = arith.constant 49 : i32
    %dma_wait3A_99 = arith.constant 6 : i32
    %dma_wait3A_100 = arith.constant 6 : i32
    %dma_wait3A_101 = arith.constant 0 : i32
    %dma_wait3A_102 = arith.constant 0 : i32
    %dma_wait3A_103 = tpu.memref_slice %arg6[%dma_wait3A_99, %dma_wait3A_101, %dma_wait3A_102] : memref<7x64x128xf32, #tpu.memory_space<vmem>> -> memref<1x64x128xf32, #tpu.memory_space<vmem>>
    %dma_wait3A_104 = tpu.memref_squeeze %dma_wait3A_103 : memref<1x64x128xf32, #tpu.memory_space<vmem>> -> memref<64x128xf32, #tpu.memory_space<vmem>>
    %dma_wait3A_105 = arith.constant 0 : i32
    %dma_wait3A_106 = arith.constant 0 : i32
    %dma_wait3A_107 = tpu.memref_slice %arg4[%dma_wait3A_105, %dma_wait3A_106] : memref<100000x128xf32, #tpu.memory_space<hbm>> -> memref<64x128xf32, #tpu.memory_space<hbm>>
    %dma_wait3A_108 = tpu.memref_slice %arg9[%dma_wait3A_100] : memref<7x!tpu.dma_semaphore, #tpu.memory_space<semaphore_mem>> -> memref<1x!tpu.dma_semaphore, #tpu.memory_space<semaphore_mem>>
    %dma_wait3A_109 = tpu.memref_squeeze %dma_wait3A_108 : memref<1x!tpu.dma_semaphore, #tpu.memory_space<semaphore_mem>> -> memref<!tpu.dma_semaphore, #tpu.memory_space<semaphore_mem>>
    %dma_wait3A_110 = arith.constant 0 : i32
    %dma_wait3A_111 = arith.constant 0 : i32
    %dma_wait3A_112 = tpu.memref_slice %arg4[%dma_wait3A_110, %dma_wait3A_111] : memref<100000x128xf32, #tpu.memory_space<hbm>> -> memref<64x128xf32, #tpu.memory_space<hbm>>
    %dma_wait3A_113 = arith.constant 0 : i32
    %dma_wait3A_114 = arith.constant 0 : i32
    %dma_wait3A_115 = tpu.memref_slice %arg6[%dma_wait3A_99, %dma_wait3A_113, %dma_wait3A_114] : memref<7x64x128xf32, #tpu.memory_space<vmem>> -> memref<1x64x128xf32, #tpu.memory_space<vmem>>
    %dma_wait3A_116 = tpu.memref_squeeze %dma_wait3A_115 : memref<1x64x128xf32, #tpu.memory_space<vmem>> -> memref<64x128xf32, #tpu.memory_space<vmem>>
    tpu.wait_dma2 semaphore(%dma_wait3A_109 : memref<!tpu.dma_semaphore, #tpu.memory_space<semaphore_mem>>) src(%dma_wait3A_116 : memref<64x128xf32, #tpu.memory_space<vmem>>) dst(%dma_wait3A_112 : memref<64x128xf32, #tpu.memory_space<hbm>>)
    %dma_wait3A_117 = arith.constant 5 : i32
    %dma_wait3A_118 = arith.constant 5 : i32
    %dma_wait3A_119 = arith.constant 0 : i32
    %dma_wait3A_120 = arith.constant 0 : i32
    %dma_wait3A_121 = tpu.memref_slice %arg6[%dma_wait3A_117, %dma_wait3A_119, %dma_wait3A_120] : memref<7x64x128xf32, #tpu.memory_space<vmem>> -> memref<1x64x128xf32, #tpu.memory_space<vmem>>
    %dma_wait3A_122 = tpu.memref_squeeze %dma_wait3A_121 : memref<1x64x128xf32, #tpu.memory_space<vmem>> -> memref<64x128xf32, #tpu.memory_space<vmem>>
    %dma_wait3A_123 = arith.constant 0 : i32
    %dma_wait3A_124 = arith.constant 0 : i32
    %dma_wait3A_125 = tpu.memref_slice %arg4[%dma_wait3A_123, %dma_wait3A_124] : memref<100000x128xf32, #tpu.memory_space<hbm>> -> memref<64x128xf32, #tpu.memory_space<hbm>>
    %dma_wait3A_126 = tpu.memref_slice %arg9[%dma_wait3A_118] : memref<7x!tpu.dma_semaphore, #tpu.memory_space<semaphore_mem>> -> memref<1x!tpu.dma_semaphore, #tpu.memory_space<semaphore_mem>>
    %dma_wait3A_127 = tpu.memref_squeeze %dma_wait3A_126 : memref<1x!tpu.dma_semaphore, #tpu.memory_space<semaphore_mem>> -> memref<!tpu.dma_semaphore, #tpu.memory_space<semaphore_mem>>
    %dma_wait3A_128 = arith.constant 0 : i32
    %dma_wait3A_129 = arith.constant 0 : i32
    %dma_wait3A_130 = tpu.memref_slice %arg4[%dma_wait3A_128, %dma_wait3A_129] : memref<100000x128xf32, #tpu.memory_space<hbm>> -> memref<64x128xf32, #tpu.memory_space<hbm>>
    %dma_wait3A_131 = arith.constant 0 : i32
    %dma_wait3A_132 = arith.constant 0 : i32
    %dma_wait3A_133 = tpu.memref_slice %arg6[%dma_wait3A_117, %dma_wait3A_131, %dma_wait3A_132] : memref<7x64x128xf32, #tpu.memory_space<vmem>> -> memref<1x64x128xf32, #tpu.memory_space<vmem>>
    %dma_wait3A_134 = tpu.memref_squeeze %dma_wait3A_133 : memref<1x64x128xf32, #tpu.memory_space<vmem>> -> memref<64x128xf32, #tpu.memory_space<vmem>>
    tpu.wait_dma2 semaphore(%dma_wait3A_127 : memref<!tpu.dma_semaphore, #tpu.memory_space<semaphore_mem>>) src(%dma_wait3A_134 : memref<64x128xf32, #tpu.memory_space<vmem>>) dst(%dma_wait3A_130 : memref<64x128xf32, #tpu.memory_space<hbm>>)
    %dma_wait3A_135 = arith.constant 4 : i32
    %dma_wait3A_136 = arith.constant 4 : i32
    %dma_wait3A_137 = arith.constant 0 : i32
    %dma_wait3A_138 = arith.constant 0 : i32
    %dma_wait3A_139 = tpu.memref_slice %arg6[%dma_wait3A_135, %dma_wait3A_137, %dma_wait3A_138] : memref<7x64x128xf32, #tpu.memory_space<vmem>> -> memref<1x64x128xf32, #tpu.memory_space<vmem>>
    %dma_wait3A_140 = tpu.memref_squeeze %dma_wait3A_139 : memref<1x64x128xf32, #tpu.memory_space<vmem>> -> memref<64x128xf32, #tpu.memory_space<vmem>>
    %dma_wait3A_141 = arith.constant 0 : i32
    %dma_wait3A_142 = arith.constant 0 : i32
    %dma_wait3A_143 = tpu.memref_slice %arg4[%dma_wait3A_141, %dma_wait3A_142] : memref<100000x128xf32, #tpu.memory_space<hbm>> -> memref<64x128xf32, #tpu.memory_space<hbm>>
    %dma_wait3A_144 = tpu.memref_slice %arg9[%dma_wait3A_136] : memref<7x!tpu.dma_semaphore, #tpu.memory_space<semaphore_mem>> -> memref<1x!tpu.dma_semaphore, #tpu.memory_space<semaphore_mem>>
    %dma_wait3A_145 = tpu.memref_squeeze %dma_wait3A_144 : memref<1x!tpu.dma_semaphore, #tpu.memory_space<semaphore_mem>> -> memref<!tpu.dma_semaphore, #tpu.memory_space<semaphore_mem>>
    %dma_wait3A_146 = arith.constant 0 : i32
    %dma_wait3A_147 = arith.constant 0 : i32
    %dma_wait3A_148 = tpu.memref_slice %arg4[%dma_wait3A_146, %dma_wait3A_147] : memref<100000x128xf32, #tpu.memory_space<hbm>> -> memref<64x128xf32, #tpu.memory_space<hbm>>
    %dma_wait3A_149 = arith.constant 0 : i32
    %dma_wait3A_150 = arith.constant 0 : i32
    %dma_wait3A_151 = tpu.memref_slice %arg6[%dma_wait3A_135, %dma_wait3A_149, %dma_wait3A_150] : memref<7x64x128xf32, #tpu.memory_space<vmem>> -> memref<1x64x128xf32, #tpu.memory_space<vmem>>
    %dma_wait3A_152 = tpu.memref_squeeze %dma_wait3A_151 : memref<1x64x128xf32, #tpu.memory_space<vmem>> -> memref<64x128xf32, #tpu.memory_space<vmem>>
    tpu.wait_dma2 semaphore(%dma_wait3A_145 : memref<!tpu.dma_semaphore, #tpu.memory_space<semaphore_mem>>) src(%dma_wait3A_152 : memref<64x128xf32, #tpu.memory_space<vmem>>) dst(%dma_wait3A_148 : memref<64x128xf32, #tpu.memory_space<hbm>>)
    %dma_wait3A_153 = arith.constant 3 : i32
    %dma_wait3A_154 = arith.constant 3 : i32
    %dma_wait3A_155 = arith.constant 0 : i32
    %dma_wait3A_156 = arith.constant 0 : i32
    %dma_wait3A_157 = tpu.memref_slice %arg6[%dma_wait3A_153, %dma_wait3A_155, %dma_wait3A_156] : memref<7x64x128xf32, #tpu.memory_space<vmem>> -> memref<1x64x128xf32, #tpu.memory_space<vmem>>
    %dma_wait3A_158 = tpu.memref_squeeze %dma_wait3A_157 : memref<1x64x128xf32, #tpu.memory_space<vmem>> -> memref<64x128xf32, #tpu.memory_space<vmem>>
    %dma_wait3A_159 = arith.constant 0 : i32
    %dma_wait3A_160 = arith.constant 0 : i32
    %dma_wait3A_161 = tpu.memref_slice %arg4[%dma_wait3A_159, %dma_wait3A_160] : memref<100000x128xf32, #tpu.memory_space<hbm>> -> memref<64x128xf32, #tpu.memory_space<hbm>>
    %dma_wait3A_162 = tpu.memref_slice %arg9[%dma_wait3A_154] : memref<7x!tpu.dma_semaphore, #tpu.memory_space<semaphore_mem>> -> memref<1x!tpu.dma_semaphore, #tpu.memory_space<semaphore_mem>>
    %dma_wait3A_163 = tpu.memref_squeeze %dma_wait3A_162 : memref<1x!tpu.dma_semaphore, #tpu.memory_space<semaphore_mem>> -> memref<!tpu.dma_semaphore, #tpu.memory_space<semaphore_mem>>
    %dma_wait3A_164 = arith.constant 0 : i32
    %dma_wait3A_165 = arith.constant 0 : i32
    %dma_wait3A_166 = tpu.memref_slice %arg4[%dma_wait3A_164, %dma_wait3A_165] : memref<100000x128xf32, #tpu.memory_space<hbm>> -> memref<64x128xf32, #tpu.memory_space<hbm>>
    %dma_wait3A_167 = arith.constant 0 : i32
    %dma_wait3A_168 = arith.constant 0 : i32
    %dma_wait3A_169 = tpu.memref_slice %arg6[%dma_wait3A_153, %dma_wait3A_167, %dma_wait3A_168] : memref<7x64x128xf32, #tpu.memory_space<vmem>> -> memref<1x64x128xf32, #tpu.memory_space<vmem>>
    %dma_wait3A_170 = tpu.memref_squeeze %dma_wait3A_169 : memref<1x64x128xf32, #tpu.memory_space<vmem>> -> memref<64x128xf32, #tpu.memory_space<vmem>>
    tpu.wait_dma2 semaphore(%dma_wait3A_163 : memref<!tpu.dma_semaphore, #tpu.memory_space<semaphore_mem>>) src(%dma_wait3A_170 : memref<64x128xf32, #tpu.memory_space<vmem>>) dst(%dma_wait3A_166 : memref<64x128xf32, #tpu.memory_space<hbm>>)
    %dma_wait3A_171 = arith.constant 2 : i32
    %dma_wait3A_172 = arith.constant 2 : i32
    %dma_wait3A_173 = arith.constant 0 : i32
    %dma_wait3A_174 = arith.constant 0 : i32
    %dma_wait3A_175 = tpu.memref_slice %arg6[%dma_wait3A_171, %dma_wait3A_173, %dma_wait3A_174] : memref<7x64x128xf32, #tpu.memory_space<vmem>> -> memref<1x64x128xf32, #tpu.memory_space<vmem>>
    %dma_wait3A_176 = tpu.memref_squeeze %dma_wait3A_175 : memref<1x64x128xf32, #tpu.memory_space<vmem>> -> memref<64x128xf32, #tpu.memory_space<vmem>>
    %dma_wait3A_177 = arith.constant 0 : i32
    %dma_wait3A_178 = arith.constant 0 : i32
    %dma_wait3A_179 = tpu.memref_slice %arg4[%dma_wait3A_177, %dma_wait3A_178] : memref<100000x128xf32, #tpu.memory_space<hbm>> -> memref<64x128xf32, #tpu.memory_space<hbm>>
    %dma_wait3A_180 = tpu.memref_slice %arg9[%dma_wait3A_172] : memref<7x!tpu.dma_semaphore, #tpu.memory_space<semaphore_mem>> -> memref<1x!tpu.dma_semaphore, #tpu.memory_space<semaphore_mem>>
    %dma_wait3A_181 = tpu.memref_squeeze %dma_wait3A_180 : memref<1x!tpu.dma_semaphore, #tpu.memory_space<semaphore_mem>> -> memref<!tpu.dma_semaphore, #tpu.memory_space<semaphore_mem>>
    %dma_wait3A_182 = arith.constant 0 : i32
    %dma_wait3A_183 = arith.constant 0 : i32
    %dma_wait3A_184 = tpu.memref_slice %arg4[%dma_wait3A_182, %dma_wait3A_183] : memref<100000x128xf32, #tpu.memory_space<hbm>> -> memref<64x128xf32, #tpu.memory_space<hbm>>
    %dma_wait3A_185 = arith.constant 0 : i32
    %dma_wait3A_186 = arith.constant 0 : i32
    %dma_wait3A_187 = tpu.memref_slice %arg6[%dma_wait3A_171, %dma_wait3A_185, %dma_wait3A_186] : memref<7x64x128xf32, #tpu.memory_space<vmem>> -> memref<1x64x128xf32, #tpu.memory_space<vmem>>
    %dma_wait3A_188 = tpu.memref_squeeze %dma_wait3A_187 : memref<1x64x128xf32, #tpu.memory_space<vmem>> -> memref<64x128xf32, #tpu.memory_space<vmem>>
    tpu.wait_dma2 semaphore(%dma_wait3A_181 : memref<!tpu.dma_semaphore, #tpu.memory_space<semaphore_mem>>) src(%dma_wait3A_188 : memref<64x128xf32, #tpu.memory_space<vmem>>) dst(%dma_wait3A_184 : memref<64x128xf32, #tpu.memory_space<hbm>>)
    %dma_wait3A_189 = arith.constant 1 : i32
    %dma_wait3A_190 = arith.constant 1 : i32
    %dma_wait3A_191 = arith.constant 0 : i32
    %dma_wait3A_192 = arith.constant 0 : i32
    %dma_wait3A_193 = tpu.memref_slice %arg6[%dma_wait3A_189, %dma_wait3A_191, %dma_wait3A_192] : memref<7x64x128xf32, #tpu.memory_space<vmem>> -> memref<1x64x128xf32, #tpu.memory_space<vmem>>
    %dma_wait3A_194 = tpu.memref_squeeze %dma_wait3A_193 : memref<1x64x128xf32, #tpu.memory_space<vmem>> -> memref<64x128xf32, #tpu.memory_space<vmem>>
    %dma_wait3A_195 = arith.constant 0 : i32
    %dma_wait3A_196 = arith.constant 0 : i32
    %dma_wait3A_197 = tpu.memref_slice %arg4[%dma_wait3A_195, %dma_wait3A_196] : memref<100000x128xf32, #tpu.memory_space<hbm>> -> memref<64x128xf32, #tpu.memory_space<hbm>>
    %dma_wait3A_198 = tpu.memref_slice %arg9[%dma_wait3A_190] : memref<7x!tpu.dma_semaphore, #tpu.memory_space<semaphore_mem>> -> memref<1x!tpu.dma_semaphore, #tpu.memory_space<semaphore_mem>>
    %dma_wait3A_199 = tpu.memref_squeeze %dma_wait3A_198 : memref<1x!tpu.dma_semaphore, #tpu.memory_space<semaphore_mem>> -> memref<!tpu.dma_semaphore, #tpu.memory_space<semaphore_mem>>
    %dma_wait3A_200 = arith.constant 0 : i32
    %dma_wait3A_201 = arith.constant 0 : i32
    %dma_wait3A_202 = tpu.memref_slice %arg4[%dma_wait3A_200, %dma_wait3A_201] : memref<100000x128xf32, #tpu.memory_space<hbm>> -> memref<64x128xf32, #tpu.memory_space<hbm>>
    %dma_wait3A_203 = arith.constant 0 : i32
    %dma_wait3A_204 = arith.constant 0 : i32
    %dma_wait3A_205 = tpu.memref_slice %arg6[%dma_wait3A_189, %dma_wait3A_203, %dma_wait3A_204] : memref<7x64x128xf32, #tpu.memory_space<vmem>> -> memref<1x64x128xf32, #tpu.memory_space<vmem>>
    %dma_wait3A_206 = tpu.memref_squeeze %dma_wait3A_205 : memref<1x64x128xf32, #tpu.memory_space<vmem>> -> memref<64x128xf32, #tpu.memory_space<vmem>>
    tpu.wait_dma2 semaphore(%dma_wait3A_199 : memref<!tpu.dma_semaphore, #tpu.memory_space<semaphore_mem>>) src(%dma_wait3A_206 : memref<64x128xf32, #tpu.memory_space<vmem>>) dst(%dma_wait3A_202 : memref<64x128xf32, #tpu.memory_space<hbm>>)
    %dma_wait3A_207 = arith.constant 0 : i32
    %dma_wait3A_208 = arith.constant 0 : i32
    %dma_wait3A_209 = arith.constant 0 : i32
    %dma_wait3A_210 = arith.constant 0 : i32
    %dma_wait3A_211 = tpu.memref_slice %arg6[%dma_wait3A_207, %dma_wait3A_209, %dma_wait3A_210] : memref<7x64x128xf32, #tpu.memory_space<vmem>> -> memref<1x64x128xf32, #tpu.memory_space<vmem>>
    %dma_wait3A_212 = tpu.memref_squeeze %dma_wait3A_211 : memref<1x64x128xf32, #tpu.memory_space<vmem>> -> memref<64x128xf32, #tpu.memory_space<vmem>>
    %dma_wait3A_213 = arith.constant 0 : i32
    %dma_wait3A_214 = arith.constant 0 : i32
    %dma_wait3A_215 = tpu.memref_slice %arg4[%dma_wait3A_213, %dma_wait3A_214] : memref<100000x128xf32, #tpu.memory_space<hbm>> -> memref<64x128xf32, #tpu.memory_space<hbm>>
    %dma_wait3A_216 = tpu.memref_slice %arg9[%dma_wait3A_208] : memref<7x!tpu.dma_semaphore, #tpu.memory_space<semaphore_mem>> -> memref<1x!tpu.dma_semaphore, #tpu.memory_space<semaphore_mem>>
    %dma_wait3A_217 = tpu.memref_squeeze %dma_wait3A_216 : memref<1x!tpu.dma_semaphore, #tpu.memory_space<semaphore_mem>> -> memref<!tpu.dma_semaphore, #tpu.memory_space<semaphore_mem>>
    %dma_wait3A_218 = arith.constant 0 : i32
    %dma_wait3A_219 = arith.constant 0 : i32
    %dma_wait3A_220 = tpu.memref_slice %arg4[%dma_wait3A_218, %dma_wait3A_219] : memref<100000x128xf32, #tpu.memory_space<hbm>> -> memref<64x128xf32, #tpu.memory_space<hbm>>
    %dma_wait3A_221 = arith.constant 0 : i32
    %dma_wait3A_222 = arith.constant 0 : i32
    %dma_wait3A_223 = tpu.memref_slice %arg6[%dma_wait3A_207, %dma_wait3A_221, %dma_wait3A_222] : memref<7x64x128xf32, #tpu.memory_space<vmem>> -> memref<1x64x128xf32, #tpu.memory_space<vmem>>
    %dma_wait3A_224 = tpu.memref_squeeze %dma_wait3A_223 : memref<1x64x128xf32, #tpu.memory_space<vmem>> -> memref<64x128xf32, #tpu.memory_space<vmem>>
    tpu.wait_dma2 semaphore(%dma_wait3A_217 : memref<!tpu.dma_semaphore, #tpu.memory_space<semaphore_mem>>) src(%dma_wait3A_224 : memref<64x128xf32, #tpu.memory_space<vmem>>) dst(%dma_wait3A_220 : memref<64x128xf32, #tpu.memory_space<hbm>>)
    return
  }
}

</mosaic_0001>

<sc_bundles>
// kernel: kernel.3.cloned.1.call-start
scs
__scs_entry_jumppad:
0x0: {  	(pc) =	sbr.rel $0x88, $3  }
0x1: {  	(tag) =	ssettag $0x0;
	lr =	simm.s32 $0x1  }
0x2: {  	[smem:$0x3F9F] =	sst lr;
	_ =	strace $0xD0000000  }
0x3: {  	_ = 	snop  }
0x4: {  	_ = 	snop  }
0x5: {  	_ = 	snop  }
0x6: {  	_ = 	snop  }
0x7: {  	_ = 	snop  }
__scs_overlays_trampoline_lowered:
0x8: {  	[smem:$0x3FAE] =	sst s0  }
0x9: {  	[smem:$0x3FAF] =	sst s1  }
0xa: {  	[smem:$0x3FB0] =	sst s2  }
0xb: {  	[smem:$0x3FB1] =	sst s3  }
0xc: {  	[smem:$0x3FB2] =	sst s4  }
0xd: {  	[smem:$0x3FB3] =	sst s5  }
0xe: {  	[smem:$0x3FB4] =	sst s6  }
0xf: {  	[smem:$0x3FB5] =	sst s7  }
0x10: {  	[smem:$0x3FB6] =	sst s8  }
0x11: {  	[smem:$0x3FB7] =	sst s9;
	s0 =	simm.s32 @!p0 $0x0  }
0x12: {  	s1 =	sld [smem:$0x3F9D];
	s0 =	simm.s32 @p0 $0x1  }
0x13: {  	[smem:$0x3FB8] =	sst s0;
	s0 =	simm.s32 @!p1 $0x0  }
0x14: {  	s2 =	sld [smem:$0x3F9C];
	s0 =	simm.s32 @p1 $0x1  }
0x15: {  	[smem:$0x3FB9] =	sst s0;
	s0 =	simm.s32 @!p2 $0x0  }
0x16: {  	s3 =	sld [smem:$0x3FDB];
	s0 =	simm.s32 @p2 $0x1  }
0x17: {  	s4 =	simm.s32 $0x1BF5;
	[smem:$0x3FBB] =	sst s0  }
0x18: {  	s0 =	sld [smem:$0x3F9E];
	_ =	swait.ge [sflag:s4], $0x0  }
0x19: {  	s7 =	sld [smem:$0x3F9F]  }
0x1a: {  	s8 =	sadd.s32 $0xFFFFE003, lr  }
0x1b: {  	s9 =	sadd.s32 $0xFFFFFEF7, lr;
	s5 =	simm.s32 $0xFFFFFFFF;
	p2 =	slt.u32 s8, $0xFFFFF086  }
0x1c: {  	p1 =	slt.u32 s9, $0xF7A;
	s5 =	simm.s32 @!p2 $0x0  }
0x1d: {  	s5 =	simm.s32 @p1 $0x1;
	p0 =	seq.s32 s7, s2  }
0x1e: {  	s7 =	smul.u32 @!p0 $0xF7A, s2;
	p2 =	seq.s32 @!p0 s5, $0x0  }
0x1f: {  	s9 =	smul.u32 $0xF7A, s1;
	s8 =	simm.s32 @!p0 $0x1BF5;
	p2 =	por !p2, p0  }
0x20: {  	[sflag:s8] =	ssyncset.s32 @!p0 $0xFFFFF086;
	s6 =	sadd.s32 @!p0 s3, s7;
	s7 =	simm.s32 @!p0 $0x108  }
0x21: {  	s3 =	sadd.s32 s3, s9;
	s6 =	sadd.s32 @!p0 $0x88, s6;
	s7 =	simm.s32 @p2 $0x1082  }
0x22: {  	[simem:s7], [sflag:s8] =	dma.local @!p0 [hbm:s6], $0xF7A  }
0x23: {  	s9 =	sor.u32 $0xD0000000, s2;
	s6 =	simm.s32 $0x108;
	_ =	swait.ge @!p0 [sflag:s8], $0x0  }
0x24: {  	s3 =	sadd.s32 $0x88, s3;
	s6 =	simm.s32 @!p1 $0x1082;
	[sflag:s4] =	ssyncset.s32 $0xFFFFF086  }
0x25: {  	[simem:s6], [sflag:s4] =	dma.local [hbm:s3], $0xF7A  }
0x26: {  	[smem:$0x3F9F] =	sst s1;
	(tag) =	ssettag s2;
	_ =	strace s9  }
0x27: {  	s1 =	sld [smem:$0x3FAF]  }
0x28: {  	s2 =	sld [smem:$0x3FB0]  }
0x29: {  	s4 =	sld [smem:$0x3FB2]  }
0x2a: {  	p0 =	seq.s32 s5, $0x0;
	s5 =	sld [smem:$0x3FB3]  }
0x2b: {  	s6 =	sld [smem:$0x3FB4]  }
0x2c: {  	s7 =	sld [smem:$0x3FB5]  }
0x2d: {  	s3 =	simm.s32 $0x108;
	s8 =	sld [smem:$0x3FB6]  }
0x2e: {  	s3 =	simm.s32 @!p0 $0x1082;
	s9 =	sld [smem:$0x3FB7]  }
0x2f: {  	lr =	sadd.s32 s0, s3;
	s0 =	sld [smem:$0x3FAE]  }
0x30: {  	s3 =	sld [smem:$0x3FB1]  }
0x31: {  	[smem:$0x3FBA] =	sst s10  }
0x32: {  	s10 =	sld [smem:$0x3FB8];
	_ =	sdelay $0x3  }
0x33: {  	p0 =	seq.s32 s10, $0x1;
	s10 =	sld [smem:$0x3FBA];
	_ =	sdelay $0x3  }
0x34: {  	[smem:$0x3FBA] =	sst s10  }
0x35: {  	s10 =	sld [smem:$0x3FB9];
	_ =	sdelay $0x3  }
0x36: {  	p1 =	seq.s32 s10, $0x1;
	s10 =	sld [smem:$0x3FBA];
	_ =	sdelay $0x3  }
0x37: {  	[smem:$0x3FBA] =	sst s10  }
0x38: {  	s10 =	sld [smem:$0x3FBB]  }
0x39: {  	_ = 	snop;
	(pc) =	sbr.ind lr, $3  }
0x3a: {  	_ = 	snop  }
0x3b: {  	_ = 	snop  }
0x3c: {  	p2 =	seq.s32 s10, $0x1;
	s10 =	sld [smem:$0x3FBA]  }
0x3d: {  	_ =	shalt  }
0x3e: {  	_ =	shalt  }
0x3f: {  	_ =	shalt  }
0x40: {  	_ =	shalt  }
0x41: {  	_ =	shalt  }
0x42: {  	_ =	shalt  }
0x43: {  	_ =	shalt  }
0x44: {  	_ =	shalt  }
0x45: {  	_ =	shalt  }
0x46: {  	_ =	shalt  }
0x47: {  	_ =	shalt  }
0x48: {  	_ =	shalt  }
0x49: {  	_ =	shalt  }
0x4a: {  	_ =	shalt  }
0x4b: {  	_ =	shalt  }
0x4c: {  	_ =	shalt  }
0x4d: {  	_ =	shalt  }
0x4e: {  	_ =	shalt  }
0x4f: {  	_ =	shalt  }
0x50: {  	_ =	shalt  }
0x51: {  	_ =	shalt  }
0x52: {  	_ =	shalt  }
0x53: {  	_ =	shalt  }
0x54: {  	_ =	shalt  }
0x55: {  	_ =	shalt  }
0x56: {  	_ =	shalt  }
0x57: {  	_ =	shalt  }
0x58: {  	_ =	shalt  }
0x59: {  	_ =	shalt  }
0x5a: {  	_ =	shalt  }
0x5b: {  	_ =	shalt  }
0x5c: {  	_ =	shalt  }
0x5d: {  	_ =	shalt  }
0x5e: {  	_ =	shalt  }
0x5f: {  	_ =	shalt  }
0x60: {  	_ =	shalt  }
0x61: {  	_ =	shalt  }
0x62: {  	_ =	shalt  }
0x63: {  	_ =	shalt  }
0x64: {  	_ =	shalt  }
0x65: {  	_ =	shalt  }
0x66: {  	_ =	shalt  }
0x67: {  	_ =	shalt  }
0x68: {  	_ =	shalt  }
0x69: {  	_ =	shalt  }
0x6a: {  	_ =	shalt  }
0x6b: {  	_ =	shalt  }
0x6c: {  	_ =	shalt  }
0x6d: {  	_ =	shalt  }
0x6e: {  	_ =	shalt  }
0x6f: {  	_ =	shalt  }
0x70: {  	_ =	shalt  }
0x71: {  	_ =	shalt  }
0x72: {  	_ =	shalt  }
0x73: {  	_ =	shalt  }
0x74: {  	_ =	shalt  }
0x75: {  	_ =	shalt  }
0x76: {  	_ =	shalt  }
0x77: {  	_ =	shalt  }
0x78: {  	_ =	shalt  }
0x79: {  	_ =	shalt  }
0x7a: {  	_ =	shalt  }
0x7b: {  	_ =	shalt  }
0x7c: {  	_ =	shalt  }
0x7d: {  	_ =	shalt  }
0x7e: {  	_ =	shalt  }
0x7f: {  	_ =	shalt  }
0x80: {  	_ =	shalt  }
0x81: {  	_ =	shalt  }
0x82: {  	_ =	shalt  }
0x83: {  	_ =	shalt  }
0x84: {  	_ =	shalt  }
0x85: {  	_ =	shalt  }
0x86: {  	_ =	shalt  }
0x87: {  	_ =	shalt  }
.Lfunc_end0:
.L_simem_size_0:
called_computation_lowered:
.L_overlay_start_0:
0x88: {  	s2 =	sld [smem:$0x3FD9]  }
0x89: {  	s3 =	sld [smem:$0x3FFE];
	_ =	sdelay $0x1  }
0x8a: {  	s1 =	srdreg.scid  }
0x8b: {  	s0 =	sand.u32 $0x1, s1  }
0x8c: {  	s17 =	sshll.u32 s0, $0xA;
	s2 =	sadd.s32 s3, s2  }
0x8d: {  	s2 =	sadd.s32 s2, s17  }
0x8e: {  	[smem:$0x3FC6] =	sst s2  }
0x8f: {  	_ = 	snop  }
0x90: {  	s2 =	sld [smem:$0x3FC8]  }
0x91: {  	s18 =	sld [smem:$0x3FD0];
	(tm) =	ssettm $0x1  }
0x92: {  	s4 =	sld [smem:$0x3FFB];
	_ =	sdelay $0x3  }
0x93: {  	_ =	strace s4  }
0x94: {  	s4 =	sld [smem:$0x3FFC];
	_ =	sdelay $0x3  }
0x95: {  	_ =	strace s4  }
0x96: {  	s4 =	sld [smem:$0x3FFD];
	_ =	sdelay $0x3  }
0x97: {  	_ =	strace s4  }
0x98: {  	_ =	strace $0x8FFFFFFF  }
0x99: {  	s19 =	sld [smem:$0x3FDB];
	_ =	sdelay $0x1  }
0x9a: {  	s5 =	simm.s32 $_scs_section_size  }
0x9b: {  	s6 =	simm.s32 $_size__tile_overlayer_lowered;
	s7 =	simm.s32 $_tile_overlayer_lowered  }
0x9c: {  	s22 =	simm.s32 $0x1BFF;
	s21 =	sshll.u32 s7, $0x1;
	s4 =	sadd.s32 s5, s19  }
0x9d: {  	s8 =	simm.s32 $0x0;
	s20 =	sshll.u32 s6, $0x1;
	s6 =	sadd.s32 s21, s4  }
0x9e: {  	[timem:s8], [sflag:s22] =	dma.local [hbm:s6], s20  }
0x9f: {  	_ =	swait.ge [sflag:s22], s20  }
0xa0: {  	s5 =	ssub.s32 $0x0, s20;
	[sflag:s22] =	ssyncset.done $0x0  }
0xa1: {  	[sflag:s22] =	ssyncadd.s32 s5;
	_ =	sdelay $0x1  }
0xa2: {  	s23 =	simm.s32 $0x1B8B  }
0xa3: {  	_ =	swait.ge [sflag:s23], $0x1  }
0xa4: {  	[sflag:s23] =	ssyncset.done $0x0  }
0xa5: {  	s25 =	simm.s32 $0x1B8E;
	s24 =	sld [smem:$0x3FFE];
	[sflag:s23] =	ssyncadd.s32 $0xFFFFFFFF  }
0xa6: {  	s26 =	simm.s32 $execute0_lowered;
	[smem:$0x3FD2] =	sst s25  }
0xa7: {  	s6 =	sshll.u32 s26, $0x1;
	_ =	strace $0x80000046;
	[dreg:$0x1] =	wrdreg $0xFFFFFFFF  }
0xa8: {  	s28 =	simm.s32 $_size_execute0_lowered;
	s4 =	sadd.s32 s4, s6;
	[dreg:$0x0] =	wrdreg $0x0  }
0xa9: {  	s6 =	sshll.u32 s28, $0x1;
	[dreg:$0x2] =	wrdreg s4  }
0xaa: {  	[dreg:$0x3] =	wrdreg s6  }
0xab: {  	[dreg:$0x4] =	wrdreg $0xC0  }
0xac: {  	_ =	task [dreg:s8], $0x5FFFF  }
0xad: {  	[dreg:$0x1] =	wrdreg $0xFFFFFFFF  }
0xae: {  	[dreg:$0x0] =	wrdreg $0x60  }
0xaf: {  	[dreg:$0x2] =	wrdreg s24  }
0xb0: {  	[dreg:$0x3] =	wrdreg s2  }
0xb1: {  	[dreg:$0x4] =	wrdreg s18  }
0xb2: {  	[dreg:$0x5] =	wrdreg $0xFC000  }
0xb3: {  	[dreg:$0x6] =	wrdreg $0x9  }
0xb4: {  	_ =	task.clear_ibuf [dreg:s8], $0x7FFFF;
	_ =	strace $0x90000046  }
0xb5: {  	s29 =	simm.s32 $0x9;
	_ =	strace $0x80000048  }
0xb6: {  	_ =	swait.ge [sflag:s29], $0x1  }
0xb7: {  	[sflag:s29] =	ssyncadd.s32 $0xFFFFFFFF  }
0xb8: {  	_ =	strace $0x90000048  }
0xb9: {  	_ =	sfence  }
0xba: {  	s30 =	sld [smem:$0x0];
	_ =	sdelay $0x2  }
0xbb: {  	s31 =	sshll.u32 s1, $0xD;
	s1 =	sshrl.u32 s1, $0x2  }
0xbc: {  	s3 =	sand.u32 $0x4000, s31;
	s1 =	sadd.s32 s1, s30  }
0xbd: {  	s0 =	sor.u32 s3, s0;
	s1 =	sshll.u32 s1, $0x11  }
0xbe: {  	s0 =	sor.u32 s1, s0  }
0xbf: {  	s0 =	sadd.s32 $0x8F2B, s0  }
0xc0: {  	[sflag:s0] =	ssyncadd.remote.s32 $0x1  }
0xc1: {  	_ =	sfence.sel $0xFFFF  }
0xc2: {  	[dreg:$0x0] =	wrdreg $0xFFFFFFFF;
	(pc) =	sbr.abs _section_cstart, $3  }
0xc3: {  	[dreg:$0x1] =	wrdreg $0xFFFFFFFF  }
0xc4: {  	_ =	task.clear_ibuf [dreg:s8], $0x2FFFF;
	_ =	strace $0x9FFFFFFF  }
0xc5: {  	(tm) =	ssettm $0x7FFFFFFF  }
tec
execute0_lowered:
.L_overlay_start_1:
0x0: {  	(tag) =	ssettag $0x1  }
0x1: {  	s0 =	rddreg [dreg:$0x0]  }
0x2: {  	s1 =	rddreg [dreg:$0x2];
	s31 =	srdreg.scid  }
0x3: {  	s6 =	stileid.u32;
	s2 =	rddreg [dreg:$0x3]  }
0x4: {  	s3 =	simm.s32 $0x0;
	s9 =	simm.s32 $0x40;
	s18 =	simm.s32 $0x9C00  }
0x5: {  	s19 =	simm.s32 $0xE;
	s20 =	simm.s32 $0xD;
	s21 =	simm.s32 $0xC  }
0x6: {  	s22 =	simm.s32 $0xB;
	s23 =	simm.s32 $0xA;
	s24 =	simm.s32 $0x9  }
0x7: {  	s25 =	simm.s32 $0x8;
	s26 =	simm.s32 $0x0;
	[dreg:$0x5] =	wrdreg s1  }
0x8: {  	s1 =	sand.u32 $0x1, s31;
	s4 =	sshll.u32 s6, $0x1;
	s8 =	smul.u32 $0x1880, s6  }
0x9: {  	s4 =	sor.u32 s1, s4;
	s5 =	ssub.s32 $0x2, s1;
	s1 =	smul.u32 $0xC40, s1  }
0xa: {  	[smem:$0x7FF] =	sst s3;
	s4 =	smul.u32 $0x380, s4;
	s7 =	sshrl.u32 s5, $0x1  }
0xb: {  	p0 =	sne.s32 s6, $0x0;
	_ =	strace $0x80000047;
	s5 =	ssub.s32 s5, s7  }
0xc: {  	s6 =	sadd.s32 s1, s8;
	s7 =	sshrl.u32 @!p0 s2, $0x3;
	s0 =	sadd.s32 s4, s0  }
0xd: {  	s8 =	simm.s32 $0xF;
	s5 =	smax.u32 s5, $0x1;
	s4 =	sadd.s32 $0x400, s0  }
.LBB2_1:
0xe: {  	[tilespmem:s3], [sflag:$0xF] =	stream.linear.gather [hbm4b:s4+s3], $0x1880, $0x38;
	[tilespmem:$0xFF20] =	vst v63  }
0xf: {  	s0 =	simm.s32 @!p0 $0x1C10;
	s1 =	rddreg [dreg:$0x1]  }
0x10: {  	[spmem:s7], [sflag:s0] =	dma.local @!p0 [hbm:s1], $0x640  }
0x11: {  	s0 =	simm.s32 @!p0 $0x10  }
0x12: {  	_ =	swait.ge @!p0 [sflag:s0], $0x640  }
0x13: {  	[sflag:s0] =	ssyncset.done @!p0 $0x0  }
0x14: {  	[sflag:s0] =	ssyncadd.s32 @!p0 $0xFFFFF9C0  }
0x15: {  	s17 =	simm.s32 $0x1C00;
	s10 =	simm.s32 $0x3C00;
	[bflag:$0x0] =	sbarrier.arrive $0xFFFF  }
0x16: {  	s11 =	simm.s32 $0x100;
	s12 =	simm.s32 $0x5C00;
	_ =	swait.ge [sflag:s8], $0x1880  }
0x17: {  	s13 =	simm.s32 $0x180;
	s14 =	simm.s32 $0x7C00;
	[sflag:s8] =	ssyncset.done $0x0  }
0x18: {  	s15 =	smul.u32 $0x25, s3;
	s16 =	simm.s32 $0x200;
	[sflag:s8] =	ssyncadd.s32 $0xFFFFE780  }
0x19: {  	[tilespmem:s17], [sflag:$0x1] =	stream.indirect.gather [spmem:s2], $0x80, s3, s9, $0xb8;
	[tilespmem:$0xFF20] =	vst v63  }
0x1a: {  	p1 =	por $0x0, $0x0;
	s1 =	simm.s32 $0x80;
	s0 =	sshrl.u32 s15, $0x8  }
0x1b: {  	[tilespmem:s10], [sflag:$0x2] =	stream.indirect.gather [spmem:s2], $0x80, s1, s9, $0xb8;
	[tilespmem:$0xFF20] =	vst v63  }
0x1c: {  	s31 =	simm.s32 $0x280;
	s1 =	simm.s32 $0x5;
	s10 =	ssub.s32 $0x0, s0  }
0x1d: {  	s30 =	simm.s32 $0x1;
	s1 =	smul.u32 @!p1 $0x25, s1;
	s10 =	sand.u32 $0xFE, s10  }
0x1e: {  	[tilespmem:s12], [sflag:$0x3] =	stream.indirect.gather [spmem:s2], $0x80, s11, s9, $0xb8;
	[tilespmem:$0xFF20] =	vst v63  }
0x1f: {  	s28 =	sadd.s32 $0x40, s6;
	s10 =	sshrl.u32 s10, $0x1;
	s1 =	sshrl.u32 @!p1 s1, $0x8  }
0x20: {  	[tilespmem:s14], [sflag:$0x4] =	stream.indirect.gather [spmem:s2], $0x80, s13, s9, $0xb8;
	[tilespmem:$0xFF20] =	vst v63  }
0x21: {  	p3 =	slt.s32 s6, $0x18660;
	s0 =	sadd.s32 s0, s10;
	s10 =	ssub.s32 @!p1 $0x5, s1  }
0x22: {  	s29 =	simm.s32 $0x300;
	s0 =	sand.u32 $0xFC, s0;
	s10 =	sand.u32 @!p1 $0xFE, s10  }
0x23: {  	[tilespmem:s18], [sflag:$0x5] =	stream.indirect.gather [spmem:s2], $0x80, s16, s9, $0xb8;
	[tilespmem:$0xFF20] =	vst v63  }
0x24: {  	p2 =	por @!p1 $0x1, $0x1;
	s0 =	sshrl.u32 s0, $0x2;
	s10 =	sshrl.u32 @!p1 s10, $0x1  }
0x25: {  	p2 =	por p2, p1;
	s0 =	smul.u32 $0x7, s0;
	s1 =	sadd.s32 @!p1 s1, s10  }
0x26: {  	s15 =	smul.u32 $0x25, s30;
	s13 =	smov.u32 s6;
	s10 =	sand.u32 @!p1 $0xFC, s1  }
0x27: {  	s13 =	simm.s32 @!p3 $0x18660;
	s0 =	ssub.s32 $0x0, s0;
	s10 =	sshrl.u32 @!p1 s10, $0x2  }
0x28: {  	s13 =	sshll.u32 s13, $0x4;
	s14 =	sand.u32 $0xFF, s0;
	s0 =	smul.u32 @!p1 $0x7, s10  }
0x29: {  	s1 =	simm.s32 $0x2;
	s17 =	sadd.s32 $0x1, s14;
	s16 =	sshll.u32 s14, $0xD  }
0x2a: {  	s14 =	sor.u32 $0x8, s14;
	_ =	swait.ge [sflag:s17], $0x2000;
	s0 =	ssub.s32 @!p1 $0x5, s0  }
0x2b: {  	[sflag:s17] =	ssyncset.done $0x0;
	s12 =	rddreg [dreg:$0x5];
	s0 =	sand.u32 @!p1 $0xFF, s0  }
0x2c: {  	[sflag:s17] =	ssyncadd.s32 $0xFFFFE000;
	s12 =	sadd.s32 s12, s13;
	s13 =	sshrl.u32 s15, $0x8  }
0x2d: {  	s15 =	sor.u32 $0x1C00, s16;
	s11 =	sshll.u32 @!p1 s0, $0xD;
	s10 =	sadd.s32 @!p2 $0x8, s0  }
.LBB2_2:
0x2e: {  	[hbm4b:s12+s3] =	stream.linear.scatter [tilespmem:s15], [sflag:s14], $0x2000, $0x38;
	[tilespmem:$0xFF20] =	vst v63  }
0x2f: {  	s14 =	smov.u32 s1;
	s12 =	smov.u32 s28;
	s15 =	smov.u32 s31  }
0x30: {  	p3 =	por p1, p1;
	s1 =	sadd.s32 $0x1, s1;
	s16 =	ssub.s32 s30, s13  }
0x31: {  	s17 =	sadd.s32 $0x5, s30;
	p1 =	sgt.u32 s30, $0x2B;
	s28 =	sadd.s32 $0x40, s28  }
0x32: {  	_ =	swait.ge @!p2 [sflag:s10], $0x2000;
	s16 =	sand.u32 $0xFE, s16;
	s31 =	smul.u32 @!p1 $0x25, s17  }
0x33: {  	p5 =	slt.u32 @!p1 s30, $0x2;
	s0 =	sadd.s32 @!p3 $0x1, s0;
	s16 =	sshrl.u32 s16, $0x1  }
0x34: {  	s11 =	sor.u32 @!p3 $0x1C00, s11;
	p4 =	sne.s32 s1, $0x31;
	s16 =	sadd.s32 s13, s16  }
0x35: {  	[sflag:s10] =	ssyncset.done @!p2 $0x0;
	s13 =	sand.u32 $0xFC, s16;
	s16 =	sshrl.u32 @!p1 s31, $0x8  }
0x36: {  	[sflag:s10] =	ssyncadd.s32 @!p2 $0xFFFFE000;
	s13 =	sshrl.u32 s13, $0x2;
	s31 =	ssub.s32 @!p1 s17, s16  }
0x37: {  	p2 =	por p5, p1;
	s10 =	smul.u32 $0x7, s13;
	s13 =	sand.u32 @!p1 $0xFE, s31  }
0x38: {  	s31 =	smov.u32 s29;
	s29 =	sadd.s32 $0x80, s29;
	s13 =	sshrl.u32 @!p1 s13, $0x1  }
0x39: {  	s10 =	ssub.s32 s30, s10;
	s13 =	sadd.s32 @!p1 s16, s13;
	s30 =	smov.u32 s14  }
0x3a: {  	s16 =	simm.s32 @!p3 $0x40;
	s14 =	sand.u32 $0xFF, s10;
	s10 =	sand.u32 @!p1 $0xFC, s13  }
0x3b: {  	[tilespmem:s11], [sflag:s0] =	stream.indirect.gather @!p3 [spmem:s2], $0x80, s15, s16, $0xb8;
	[tilespmem:$0xFF20] =	vst v63  }
0x3c: {  	p3 =	slt.s32 s12, $0x18660;
	s16 =	smul.u32 $0x25, s30;
	s10 =	sshrl.u32 @!p1 s10, $0x2  }
0x3d: {  	s13 =	sadd.s32 $0x1, s14;
	s12 =	simm.s32 @!p3 $0x18660;
	s10 =	smul.u32 @!p1 $0x7, s10  }
.Ltmp0:
0x3e: {  	_ =	swait.ge [sflag:s13], $0x2000;
	s12 =	sshll.u32 s12, $0x4;
	(pc) =	sbr.rel @p4 .LBB2_2-.Ltmp0, $4  }
0x3f: {  	[sflag:s13] =	ssyncset.done $0x0;
	s15 =	rddreg [dreg:$0x5];
	s0 =	ssub.s32 @!p1 s17, s10  }
0x40: {  	[sflag:s13] =	ssyncadd.s32 $0xFFFFE000;
	s17 =	sshll.u32 s14, $0xD;
	s12 =	sadd.s32 s15, s12  }
0x41: {  	s13 =	sshrl.u32 s16, $0x8;
	s14 =	sor.u32 $0x8, s14;
	s0 =	sand.u32 @!p1 $0xFF, s0  }
0x42: {  	s15 =	sor.u32 $0x1C00, s17;
	s11 =	sshll.u32 @!p1 s0, $0xD;
	s10 =	sadd.s32 @!p2 $0x8, s0  }
0x43: {  	[hbm4b:s12+s3] =	stream.linear.scatter [tilespmem:s15], [sflag:s14], $0x2000, $0x38;
	[tilespmem:$0xFF20] =	vst v63  }
0x44: {  	s1 =	ssub.s32 s30, s13;
	s12 =	sadd.s32 $0x5, s30;
	p3 =	sgt.u32 s30, $0x2B  }
0x45: {  	s1 =	sand.u32 $0xFE, s1;
	s14 =	smul.u32 @!p3 $0x25, s12  }
0x46: {  	p1 =	por p1, p1;
	_ =	swait.ge @!p2 [sflag:s10], $0x2000;
	s1 =	sshrl.u32 s1, $0x1  }
0x47: {  	p4 =	slt.u32 @!p3 s30, $0x2;
	s1 =	sadd.s32 s13, s1;
	s13 =	sshrl.u32 @!p3 s14, $0x8  }
0x48: {  	s0 =	sadd.s32 @!p1 $0x1, s0;
	[sflag:s10] =	ssyncset.done @!p2 $0x0;
	s14 =	ssub.s32 @!p3 s12, s13  }
0x49: {  	s11 =	sor.u32 @!p1 $0x1C00, s11;
	[sflag:s10] =	ssyncadd.s32 @!p2 $0xFFFFE000;
	s14 =	sand.u32 @!p3 $0xFE, s14  }
0x4a: {  	p2 =	slt.s32 s28, $0x18660;
	s1 =	sand.u32 $0xFC, s1;
	s14 =	sshrl.u32 @!p3 s14, $0x1  }
0x4b: {  	s28 =	simm.s32 @!p2 $0x18660;
	s1 =	sshrl.u32 s1, $0x2;
	s13 =	sadd.s32 @!p3 s13, s14  }
0x4c: {  	s1 =	smul.u32 $0x7, s1;
	s14 =	simm.s32 @!p1 $0x40;
	s13 =	sand.u32 @!p3 $0xFC, s13  }
0x4d: {  	[tilespmem:s11], [sflag:s0] =	stream.indirect.gather @!p1 [spmem:s2], $0x80, s31, s14, $0xb8;
	[tilespmem:$0xFF20] =	vst v63  }
0x4e: {  	s28 =	sshll.u32 s28, $0x4;
	s1 =	ssub.s32 s30, s1;
	s10 =	sshrl.u32 @!p3 s13, $0x2  }
0x4f: {  	p1 =	por p4, p3;
	s1 =	sand.u32 $0xFF, s1;
	s10 =	smul.u32 @!p3 $0x7, s10  }
0x50: {  	s16 =	sadd.s32 $0x1, s1;
	s30 =	sshll.u32 s1, $0xD;
	s1 =	sor.u32 $0x8, s1  }
0x51: {  	_ =	swait.ge [sflag:s16], $0x2000;
	s31 =	sor.u32 $0x1C00, s30;
	s0 =	ssub.s32 @!p3 s12, s10  }
0x52: {  	[sflag:s16] =	ssyncset.done $0x0;
	s17 =	rddreg [dreg:$0x5];
	s0 =	sand.u32 @!p3 $0xFF, s0  }
0x53: {  	[sflag:s16] =	ssyncadd.s32 $0xFFFFE000;
	s10 =	sadd.s32 s17, s28;
	s12 =	sadd.s32 @!p1 $0x8, s0  }
0x54: {  	[hbm4b:s10+s3] =	stream.linear.scatter [tilespmem:s31], [sflag:s1], $0x2000, $0x38;
	[tilespmem:$0xFF20] =	vst v63  }
0x55: {  	p2 =	por p3, p3;
	_ =	swait.ge @!p1 [sflag:s12], $0x2000  }
0x56: {  	s1 =	sshll.u32 @!p3 s0, $0xD;
	s0 =	sadd.s32 @!p2 $0x1, s0;
	[sflag:s12] =	ssyncset.done @!p1 $0x0  }
0x57: {  	s10 =	simm.s32 @!p2 $0x40;
	s1 =	sor.u32 @!p2 $0x1C00, s1;
	[sflag:s12] =	ssyncadd.s32 @!p1 $0xFFFFE000  }
0x58: {  	[tilespmem:s1], [sflag:s0] =	stream.indirect.gather @!p2 [spmem:s2], $0x80, s29, s10, $0xb8;
	[tilespmem:$0xFF20] =	vst v63  }
0x59: {  	_ =	swait.ge [sflag:s19], $0x2000  }
0x5a: {  	[sflag:s19] =	ssyncset.done $0x0  }
0x5b: {  	[sflag:s19] =	ssyncadd.s32 $0xFFFFE000  }
0x5c: {  	_ =	swait.ge [sflag:s20], $0x2000  }
0x5d: {  	[sflag:s20] =	ssyncset.done $0x0  }
0x5e: {  	[sflag:s20] =	ssyncadd.s32 $0xFFFFE000  }
0x5f: {  	_ =	swait.ge [sflag:s21], $0x2000  }
0x60: {  	[sflag:s21] =	ssyncset.done $0x0  }
0x61: {  	[sflag:s21] =	ssyncadd.s32 $0xFFFFE000  }
0x62: {  	_ =	swait.ge [sflag:s22], $0x2000  }
0x63: {  	[sflag:s22] =	ssyncset.done $0x0  }
0x64: {  	[sflag:s22] =	ssyncadd.s32 $0xFFFFE000  }
0x65: {  	_ =	swait.ge [sflag:s23], $0x2000  }
0x66: {  	[sflag:s23] =	ssyncset.done $0x0  }
0x67: {  	s26 =	sadd.s32 $0x1, s26;
	[sflag:s23] =	ssyncadd.s32 $0xFFFFE000  }
0x68: {  	p1 =	sne.s32 s26, s5;
	_ =	swait.ge [sflag:s24], $0x2000  }
.Ltmp1:
0x69: {  	[sflag:s24] =	ssyncset.done $0x0;
	(pc) =	sbr.rel @p1 .LBB2_1-.Ltmp1, $4  }
0x6a: {  	[sflag:s24] =	ssyncadd.s32 $0xFFFFE000  }
0x6b: {  	_ =	swait.ge [sflag:s25], $0x2000  }
0x6c: {  	[sflag:s25] =	ssyncset.done $0x0  }
0x6d: {  	[sflag:s25] =	ssyncadd.s32 $0xFFFFE000  }
0x6e: {  	_ =	sfence.sel $0x180000  }
0x6f: {  	[bflag:$0x0] =	sbarrier.arrive $0xFFFF  }
0x70: {  	_ =	strace $0x90000047  }
0x71: {  	[bflag:$0x2] =	sbarrier.arrive $0xFFFF  }
0x72: {  	s0 =	rddreg [dreg:$0x4]  }
0x73: {  	s0 =	sadd.s32 @!p0 $0x100000, s0  }
0x74: {  	[sflag:s0] =	ssyncadd.tile.s32 @!p0 $0x1;
	_ =	shalt  }
.Lfunc_end2:
_tile_overlayer_lowered:
.L_overlay_start_2:
0x75: {  	(tag) =	ssettag $0x2  }
0x76: {  	s0 =	rddreg [dreg:$0x0];
	s2 =	stileid.u32  }
0x77: {  	s1 =	rddreg [dreg:$0x1];
	p0 =	sne.s32 s2, $0x0  }
0x78: {  	s3 =	rddreg [dreg:$0x2];
	[bflag:$0x3] =	sbarrier.arrive $0xFFFF;
	s2 =	simm.s32 @!p0 $0x1C10  }
0x79: {  	[timem:s3], [sflag:s2] =	dma.local @!p0 [hbm:s0], s1  }
0x7a: {  	s0 =	simm.s32 @!p0 $0x10  }
0x7b: {  	_ =	swait.ge @!p0 [sflag:s0], s1  }
0x7c: {  	s1 =	ssub.s32 @!p0 $0x0, s1;
	[sflag:s0] =	ssyncset.done @!p0 $0x0  }
0x7d: {  	[sflag:s0] =	ssyncadd.s32 @!p0 s1  }
0x7e: {  	[bflag:$0x3] =	sbarrier.arrive $0xFFFF  }
0x7f: {  	_ =	shalt  }

</sc_bundles>
